<compile_context>
chip_gen: v7x
topology: tpu7x:2x2x1
jax: 0.10.2.dev20260603
libtpu: 0.0.44.dev20260713+nightly
codegen_flags: <defaults>
</compile_context>

<pallas_src>
import functools

import jax
import jax.numpy as jnp
from jax import lax
from jax.experimental import pallas as pl
from jax.experimental.pallas import tpu as pltpu
from jax.experimental.pallas import tpu_sc as plsc

B_TOTAL = 4 * 256 * 256
D = 512
V = 64
NC = 2
NS = 16
NW = NC * NS
BPW = B_TOTAL // NW
K = 64
NCHUNK = BPW // K
NPAIR = NCHUNK // 2


def _sc_lookup(g_flat, gt_flat, table_rep):
    mesh = plsc.VectorSubcoreMesh(core_axis_name="c", subcore_axis_name="s")

    @functools.partial(
        pl.kernel,
        mesh=mesh,
        out_type=jax.ShapeDtypeStruct((B_TOTAL, D), jnp.float32),
        scratch_types=[
            pltpu.VMEM((BPW,), jnp.int32),
            pltpu.VMEM((BPW,), jnp.int32),
            pltpu.VMEM((2, K, D), jnp.float32),
            pltpu.SemaphoreType.DMA,
            pltpu.SemaphoreType.DMA,
            pltpu.SemaphoreType.DMA,
            pltpu.SemaphoreType.DMA,
        ],
    )
    def body(g_hbm, gt_hbm, table_hbm, out_hbm, idx_v, add_v, rows_v,
             gsem0, gsem1, osem0, osem1):
        wid = lax.axis_index("s") * NC + lax.axis_index("c")
        base = wid * BPW
        toff = wid * V

        pltpu.sync_copy(g_hbm.at[pl.ds(base, BPW)], idx_v)
        pltpu.sync_copy(gt_hbm.at[pl.ds(base, BPW)], add_v)

        def add_chunk(i, carry):
            sl = pl.ds(i * 16, 16)
            idx_v[sl] = idx_v[sl] + add_v[sl] + toff
            return carry

        lax.fori_loop(0, BPW // 16, add_chunk, 0)

        def start_gather(c, slot, sem):
            pltpu.async_copy(
                table_hbm.at[idx_v.at[pl.ds(c * K, K)]], rows_v.at[slot], sem)

        def wait_gather(slot, sem):
            pltpu.make_async_copy(
                table_hbm.at[pl.ds(0, K)], rows_v.at[slot], sem).wait()

        def start_out(c, slot, sem):
            pltpu.async_copy(
                rows_v.at[slot], out_hbm.at[pl.ds(base + c * K, K)], sem)

        def wait_out(slot, sem):
            pltpu.make_async_copy(
                rows_v.at[slot], out_hbm.at[pl.ds(base, K)], sem).wait()

        start_gather(0, 0, gsem0)

        def pair(p, carry):
            a = 2 * p
            b = a + 1
            wait_gather(0, gsem0)

            @pl.when(p > 0)
            def _():
                wait_out(1, osem1)

            start_gather(b, 1, gsem1)
            start_out(a, 0, osem0)
            wait_gather(1, gsem1)
            wait_out(0, osem0)

            @pl.when(p < NPAIR - 1)
            def _():
                start_gather(a + 2, 0, gsem0)

            start_out(b, 1, osem1)
            return carry

        lax.fori_loop(0, NPAIR, pair, 0)
        wait_out(1, osem1)

    return body(g_flat, gt_flat, table_rep)


def kernel(graphs, spec_type, normal_type):
    table = jnp.concatenate((spec_type, normal_type), axis=0)
    table_rep = jnp.tile(table, (NW, 1))
    g_flat = graphs.reshape(B_TOTAL)
    gt_flat = jnp.transpose(graphs, (0, 2, 1)).reshape(B_TOTAL)
    out = _sc_lookup(g_flat, gt_flat, table_rep)
    return out.reshape(4, 256, 256, D)

# --- scband reference (transcript-rebuilt; emitter-appended) ---
"""Pipeline reference for scband-path-model-12197707120740 (READ-ONLY COPY).

The authoritative reference and input builder live on the scoring server;
editing this copy changes nothing except your own understanding.
"""

import jax, jax.numpy as jnp
import numpy as np

PATH_HIDDEN_SIZE = 512
PARENT_RELATION_DIMS = 64


def setup_inputs(seed: int = 0) -> dict:
    key = jax.random.key(seed)
    k_g, k_w = jax.random.split(key)
    graphs = jax.random.randint(k_g, (4, 256, 256), 0, 32, dtype=jnp.int32)
    # Learned parameters, sized per init_kwargs and initialized like reset_parameters()
    spec_type = jnp.zeros((1, PATH_HIDDEN_SIZE), dtype=jnp.float32)  # requires_grad=False
    normal_type = (jax.random.normal(k_w, (PARENT_RELATION_DIMS - 1, PATH_HIDDEN_SIZE), dtype=jnp.float32)
                   * (PATH_HIDDEN_SIZE ** (-0.5)))
    return {"graphs": graphs, "spec_type": spec_type, "normal_type": normal_type}


def reference(graphs, spec_type, normal_type):
    # label_embedding = cat(spec_type, normal_type)
    label_embedding = jnp.concatenate((spec_type, normal_type), axis=0)
    # graphs = graphs + graphs.transpose(1, 2)
    g = graphs + jnp.transpose(graphs, (0, 2, 1))
    # nn.functional.embedding(g, weight=label_embedding, padding_idx=0)
    # padding_idx only affects gradients; forward is a plain gather.
    path = jnp.take(label_embedding, g, axis=0)
    # Dropout(0.1) in eval mode is identity.
    return path

if __name__ == "__main__":
    import jax
    _d = setup_inputs()
    print(jax.jit(kernel)(*tuple(_d.values())))

</pallas_src>

<mosaic_0001>
#map = affine_map<(d0, d1) -> (0)>
#map1 = affine_map<(d0, d1) -> (0, 0)>
module attributes {stable_mosaic.version = 14 : i64} {
  func.func @body(%arg0: i32, %arg1: i32, %arg2: memref<262144xi32, #tpu.memory_space<hbm>>, %arg3: memref<262144xi32, #tpu.memory_space<hbm>>, %arg4: memref<2048x512xf32, #tpu.memory_space<hbm>>, %arg5: memref<262144x512xf32, #tpu.memory_space<hbm>>, %arg6: memref<8192xi32, #tpu.memory_space<vmem>>, %arg7: memref<8192xi32, #tpu.memory_space<vmem>>, %arg8: memref<2x64x512xf32, #tpu.memory_space<vmem>>, %arg9: memref<!tpu.dma_semaphore, #tpu.memory_space<semaphore_mem>>, %arg10: memref<!tpu.dma_semaphore, #tpu.memory_space<semaphore_mem>>, %arg11: memref<!tpu.dma_semaphore, #tpu.memory_space<semaphore_mem>>, %arg12: memref<!tpu.dma_semaphore, #tpu.memory_space<semaphore_mem>>) attributes {dimension_semantics = [#tpu.dimension_semantics<core_parallel>, #tpu.dimension_semantics<subcore_parallel>], iteration_bounds = array<i64: 2, 16>, scalar_prefetch = 0 : i64, scratch_operands = 7 : i64, tpu.core_type = #tpu.core_type<sc_vector_subcore>, window_params = [{transform_indices = #map}, {transform_indices = #map}, {transform_indices = #map1}, {transform_indices = #map1}]} {
    %mul3A = arith.constant 2 : i32
    %mul3A_0 = arith.muli %arg1, %mul3A : i32
    %add3A = arith.addi %mul3A_0, %arg0 : i32
    %mul3A_1 = arith.constant 8192 : i32
    %mul3A_2 = arith.muli %add3A, %mul3A_1 : i32
    %mul3A_3 = arith.constant 64 : i32
    %mul3A_4 = arith.muli %add3A, %mul3A_3 : i32
    "tpu.region"() ({
      %run_scoped3A = tpu.sem_alloc : memref<!tpu.dma_semaphore, #tpu.memory_space<semaphore_mem>>
      %dma_start3A_37 = tpu.memref_slice %arg2[%mul3A_2] : memref<262144xi32, #tpu.memory_space<hbm>> -> memref<8192xi32, #tpu.memory_space<hbm>>
      %dma_start3A_38 = tpu.memref_slice %arg2[%mul3A_2] : memref<262144xi32, #tpu.memory_space<hbm>> -> memref<8192xi32, #tpu.memory_space<hbm>>
      tpu.enqueue_dma source(%dma_start3A_38 : memref<8192xi32, #tpu.memory_space<hbm>>) target(%arg6 : memref<8192xi32, #tpu.memory_space<vmem>>) target_semaphore(%run_scoped3A : memref<!tpu.dma_semaphore, #tpu.memory_space<semaphore_mem>>)
      %dma_wait3A_39 = tpu.memref_slice %arg2[%mul3A_2] : memref<262144xi32, #tpu.memory_space<hbm>> -> memref<8192xi32, #tpu.memory_space<hbm>>
      %dma_wait3A_40 = tpu.memref_slice %arg2[%mul3A_2] : memref<262144xi32, #tpu.memory_space<hbm>> -> memref<8192xi32, #tpu.memory_space<hbm>>
      tpu.wait_dma2 semaphore(%run_scoped3A : memref<!tpu.dma_semaphore, #tpu.memory_space<semaphore_mem>>) src(%dma_wait3A_40 : memref<8192xi32, #tpu.memory_space<hbm>>) dst(%arg6 : memref<8192xi32, #tpu.memory_space<vmem>>)
      tpu.yield
    }) : () -> ()
    "tpu.region"() ({
      %run_scoped3A = tpu.sem_alloc : memref<!tpu.dma_semaphore, #tpu.memory_space<semaphore_mem>>
      %dma_start3A_37 = tpu.memref_slice %arg3[%mul3A_2] : memref<262144xi32, #tpu.memory_space<hbm>> -> memref<8192xi32, #tpu.memory_space<hbm>>
      %dma_start3A_38 = tpu.memref_slice %arg3[%mul3A_2] : memref<262144xi32, #tpu.memory_space<hbm>> -> memref<8192xi32, #tpu.memory_space<hbm>>
      tpu.enqueue_dma source(%dma_start3A_38 : memref<8192xi32, #tpu.memory_space<hbm>>) target(%arg7 : memref<8192xi32, #tpu.memory_space<vmem>>) target_semaphore(%run_scoped3A : memref<!tpu.dma_semaphore, #tpu.memory_space<semaphore_mem>>)
      %dma_wait3A_39 = tpu.memref_slice %arg3[%mul3A_2] : memref<262144xi32, #tpu.memory_space<hbm>> -> memref<8192xi32, #tpu.memory_space<hbm>>
      %dma_wait3A_40 = tpu.memref_slice %arg3[%mul3A_2] : memref<262144xi32, #tpu.memory_space<hbm>> -> memref<8192xi32, #tpu.memory_space<hbm>>
      tpu.wait_dma2 semaphore(%run_scoped3A : memref<!tpu.dma_semaphore, #tpu.memory_space<semaphore_mem>>) src(%dma_wait3A_40 : memref<8192xi32, #tpu.memory_space<hbm>>) dst(%arg7 : memref<8192xi32, #tpu.memory_space<vmem>>)
      tpu.yield
    }) : () -> ()
    %scan3A = arith.constant 0 : i32
    %scan3A_5 = arith.constant 0 : i32
    %scan3A_6 = arith.constant 512 : i32
    %scan3A_7 = arith.addi %scan3A_5, %scan3A_6 : i32
    %scan3A_8 = arith.constant 1 : i32
    scf.for %scan3A_37 = %scan3A_5 to %scan3A_7 step %scan3A_8  : i32 {
      %mul3A_38 = arith.constant 16 : i32
      %mul3A_39 = arith.muli %scan3A_37, %mul3A_38 : i32
      %get3A = arith.index_cast %mul3A_39 : i32 to index
      %get3A_40 = tpu.vector_load %arg6[%get3A] {strides = array<i32>} : memref<8192xi32, #tpu.memory_space<vmem>>, vector<16xi32>,
      %get3A_41 = vector.shape_cast %get3A_40 : vector<16xi32> to vector<16xi32>
      %get3A_42 = arith.index_cast %mul3A_39 : i32 to index
      %get3A_43 = tpu.vector_load %arg7[%get3A_42] {strides = array<i32>} : memref<8192xi32, #tpu.memory_space<vmem>>, vector<16xi32>,
      %get3A_44 = vector.shape_cast %get3A_43 : vector<16xi32> to vector<16xi32>
      %add3A_45 = arith.addi %get3A_41, %get3A_44 : vector<16xi32>
      %add3A_46 = vector.broadcast %mul3A_4 : i32 to vector<16xi32>
      %add3A_47 = arith.addi %add3A_45, %add3A_46 : vector<16xi32>
      %swap3A = arith.index_cast %mul3A_39 : i32 to index
      %swap3A_48 = tpu.vector_load %arg6[%swap3A] {strides = array<i32>} : memref<8192xi32, #tpu.memory_space<vmem>>, vector<16xi32>,
      %swap3A_49 = vector.shape_cast %swap3A_48 : vector<16xi32> to vector<16xi32>
      %swap3A_50 = vector.shape_cast %add3A_47 : vector<16xi32> to vector<16xi32>
      tpu.vector_store %arg6[%swap3A], %swap3A_50 {strides = array<i32>} : memref<8192xi32, #tpu.memory_space<vmem>>, vector<16xi32>,
    }
    %scan3A_9 = arith.constant 512 : i32
    %dma_start3A = arith.constant 0 : i32
    %dma_start3A_10 = arith.constant 0 : i32
    %dma_start3A_11 = arith.constant 0 : i32
    %dma_start3A_12 = tpu.memref_slice %arg8[%dma_start3A, %dma_start3A_10, %dma_start3A_11] : memref<2x64x512xf32, #tpu.memory_space<vmem>> -> memref<1x64x512xf32, #tpu.memory_space<vmem>>
    %dma_start3A_13 = tpu.memref_squeeze %dma_start3A_12 : memref<1x64x512xf32, #tpu.memory_space<vmem>> -> memref<64x512xf32, #tpu.memory_space<vmem>>
    %dma_start3A_14 = arith.constant 0 : i32
    %dma_start3A_15 = tpu.memref_slice %arg6[%dma_start3A_14] : memref<8192xi32, #tpu.memory_space<vmem>> -> memref<64xi32, #tpu.memory_space<vmem>>
    %dma_start3A_16 = arith.constant 0 : i32
    %dma_start3A_17 = arith.constant 0 : i32
    %dma_start3A_18 = tpu.memref_slice %arg4[%dma_start3A_16, %dma_start3A_17] : memref<2048x512xf32, #tpu.memory_space<hbm>> -> memref<2048x512xf32, #tpu.memory_space<hbm>>
    tpu.enqueue_indirect_dma source(%dma_start3A_18 : memref<2048x512xf32, #tpu.memory_space<hbm>>) target(%dma_start3A_13 : memref<64x512xf32, #tpu.memory_space<vmem>>) offsets(%dma_start3A_15 : memref<64xi32, #tpu.memory_space<vmem>>) semaphore(%arg9 : memref<!tpu.dma_semaphore, #tpu.memory_space<semaphore_mem>>)
    %scan3A_19 = arith.constant 0 : i32
    %scan3A_20 = arith.constant 0 : i32
    %scan3A_21 = arith.constant 64 : i32
    %scan3A_22 = arith.addi %scan3A_20, %scan3A_21 : i32
    %scan3A_23 = arith.constant 1 : i32
    scf.for %scan3A_37 = %scan3A_20 to %scan3A_22 step %scan3A_23  : i32 {
      %mul3A_38 = arith.constant 2 : i32
      %mul3A_39 = arith.muli %mul3A_38, %scan3A_37 : i32
      %add3A_40 = arith.constant 1 : i32
      %add3A_41 = arith.addi %mul3A_39, %add3A_40 : i32
      %dma_wait3A_42 = arith.constant 0 : i32
      %dma_wait3A_43 = arith.constant 0 : i32
      %dma_wait3A_44 = arith.constant 0 : i32
      %dma_wait3A_45 = tpu.memref_slice %arg8[%dma_wait3A_42, %dma_wait3A_43, %dma_wait3A_44] : memref<2x64x512xf32, #tpu.memory_space<vmem>> -> memref<1x64x512xf32, #tpu.memory_space<vmem>>
      %dma_wait3A_46 = tpu.memref_squeeze %dma_wait3A_45 : memref<1x64x512xf32, #tpu.memory_space<vmem>> -> memref<64x512xf32, #tpu.memory_space<vmem>>
      %dma_wait3A_47 = arith.constant 0 : i32
      %dma_wait3A_48 = arith.constant 0 : i32
      %dma_wait3A_49 = tpu.memref_slice %arg4[%dma_wait3A_47, %dma_wait3A_48] : memref<2048x512xf32, #tpu.memory_space<hbm>> -> memref<64x512xf32, #tpu.memory_space<hbm>>
      %dma_wait3A_50 = arith.constant 0 : i32
      %dma_wait3A_51 = arith.constant 0 : i32
      %dma_wait3A_52 = tpu.memref_slice %arg8[%dma_wait3A_42, %dma_wait3A_50, %dma_wait3A_51] : memref<2x64x512xf32, #tpu.memory_space<vmem>> -> memref<1x64x512xf32, #tpu.memory_space<vmem>>
      %dma_wait3A_53 = tpu.memref_squeeze %dma_wait3A_52 : memref<1x64x512xf32, #tpu.memory_space<vmem>> -> memref<64x512xf32, #tpu.memory_space<vmem>>
      %dma_wait3A_54 = arith.constant 0 : i32
      %dma_wait3A_55 = arith.constant 0 : i32
      %dma_wait3A_56 = tpu.memref_slice %arg4[%dma_wait3A_54, %dma_wait3A_55] : memref<2048x512xf32, #tpu.memory_space<hbm>> -> memref<64x512xf32, #tpu.memory_space<hbm>>
      tpu.wait_dma2 semaphore(%arg9 : memref<!tpu.dma_semaphore, #tpu.memory_space<semaphore_mem>>) src(%dma_wait3A_56 : memref<64x512xf32, #tpu.memory_space<hbm>>) dst(%dma_wait3A_53 : memref<64x512xf32, #tpu.memory_space<vmem>>)
      %gt3A = arith.constant 0 : i32
      %gt3A_57 = arith.cmpi sgt, %scan3A_37, %gt3A : i32
      %convert_element_type3A = arith.extui %gt3A_57 : i1 to i32
      %cond3A = arith.constant 0 : i32
      %cond3A_58 = arith.cmpi ne, %convert_element_type3A, %cond3A : i32
      scf.if %cond3A_58 {
        %dma_wait3A_134 = arith.constant 1 : i32
        %dma_wait3A_135 = arith.constant 0 : i32
        %dma_wait3A_136 = arith.constant 0 : i32
        %dma_wait3A_137 = tpu.memref_slice %arg8[%dma_wait3A_134, %dma_wait3A_135, %dma_wait3A_136] : memref<2x64x512xf32, #tpu.memory_space<vmem>> -> memref<1x64x512xf32, #tpu.memory_space<vmem>>
        %dma_wait3A_138 = tpu.memref_squeeze %dma_wait3A_137 : memref<1x64x512xf32, #tpu.memory_space<vmem>> -> memref<64x512xf32, #tpu.memory_space<vmem>>
        %dma_wait3A_139 = arith.constant 0 : i32
        %dma_wait3A_140 = tpu.memref_slice %arg5[%mul3A_2, %dma_wait3A_139] : memref<262144x512xf32, #tpu.memory_space<hbm>> -> memref<64x512xf32, #tpu.memory_space<hbm>>
        %dma_wait3A_141 = arith.constant 0 : i32
        %dma_wait3A_142 = tpu.memref_slice %arg5[%mul3A_2, %dma_wait3A_141] : memref<262144x512xf32, #tpu.memory_space<hbm>> -> memref<64x512xf32, #tpu.memory_space<hbm>>
        %dma_wait3A_143 = arith.constant 0 : i32
        %dma_wait3A_144 = arith.constant 0 : i32
        %dma_wait3A_145 = tpu.memref_slice %arg8[%dma_wait3A_134, %dma_wait3A_143, %dma_wait3A_144] : memref<2x64x512xf32, #tpu.memory_space<vmem>> -> memref<1x64x512xf32, #tpu.memory_space<vmem>>
        %dma_wait3A_146 = tpu.memref_squeeze %dma_wait3A_145 : memref<1x64x512xf32, #tpu.memory_space<vmem>> -> memref<64x512xf32, #tpu.memory_space<vmem>>
        tpu.wait_dma2 semaphore(%arg12 : memref<!tpu.dma_semaphore, #tpu.memory_space<semaphore_mem>>) src(%dma_wait3A_146 : memref<64x512xf32, #tpu.memory_space<vmem>>) dst(%dma_wait3A_142 : memref<64x512xf32, #tpu.memory_space<hbm>>)
      } else {
      }
      %mul3A_59 = arith.constant 64 : i32
      %mul3A_60 = arith.muli %add3A_41, %mul3A_59 : i32
      %dma_start3A_61 = arith.constant 1 : i32
      %dma_start3A_62 = arith.constant 0 : i32
      %dma_start3A_63 = arith.constant 0 : i32
      %dma_start3A_64 = tpu.memref_slice %arg8[%dma_start3A_61, %dma_start3A_62, %dma_start3A_63] : memref<2x64x512xf32, #tpu.memory_space<vmem>> -> memref<1x64x512xf32, #tpu.memory_space<vmem>>
      %dma_start3A_65 = tpu.memref_squeeze %dma_start3A_64 : memref<1x64x512xf32, #tpu.memory_space<vmem>> -> memref<64x512xf32, #tpu.memory_space<vmem>>
      %dma_start3A_66 = tpu.memref_slice %arg6[%mul3A_60] : memref<8192xi32, #tpu.memory_space<vmem>> -> memref<64xi32, #tpu.memory_space<vmem>>
      %dma_start3A_67 = arith.constant 0 : i32
      %dma_start3A_68 = arith.constant 0 : i32
      %dma_start3A_69 = tpu.memref_slice %arg4[%dma_start3A_67, %dma_start3A_68] : memref<2048x512xf32, #tpu.memory_space<hbm>> -> memref<2048x512xf32, #tpu.memory_space<hbm>>
      tpu.enqueue_indirect_dma source(%dma_start3A_69 : memref<2048x512xf32, #tpu.memory_space<hbm>>) target(%dma_start3A_65 : memref<64x512xf32, #tpu.memory_space<vmem>>) offsets(%dma_start3A_66 : memref<64xi32, #tpu.memory_space<vmem>>) semaphore(%arg10 : memref<!tpu.dma_semaphore, #tpu.memory_space<semaphore_mem>>)
      %mul3A_70 = arith.constant 64 : i32
      %mul3A_71 = arith.muli %mul3A_39, %mul3A_70 : i32
      %add3A_72 = arith.addi %mul3A_2, %mul3A_71 : i32
      %dma_start3A_73 = arith.constant 0 : i32
      %dma_start3A_74 = arith.constant 0 : i32
      %dma_start3A_75 = arith.constant 0 : i32
      %dma_start3A_76 = tpu.memref_slice %arg8[%dma_start3A_73, %dma_start3A_74, %dma_start3A_75] : memref<2x64x512xf32, #tpu.memory_space<vmem>> -> memref<1x64x512xf32, #tpu.memory_space<vmem>>
      %dma_start3A_77 = tpu.memref_squeeze %dma_start3A_76 : memref<1x64x512xf32, #tpu.memory_space<vmem>> -> memref<64x512xf32, #tpu.memory_space<vmem>>
      %dma_start3A_78 = arith.constant 0 : i32
      %dma_start3A_79 = tpu.memref_slice %arg5[%add3A_72, %dma_start3A_78] : memref<262144x512xf32, #tpu.memory_space<hbm>> -> memref<64x512xf32, #tpu.memory_space<hbm>>
      %dma_start3A_80 = arith.constant 0 : i32
      %dma_start3A_81 = tpu.memref_slice %arg5[%add3A_72, %dma_start3A_80] : memref<262144x512xf32, #tpu.memory_space<hbm>> -> memref<64x512xf32, #tpu.memory_space<hbm>>
      %dma_start3A_82 = arith.constant 0 : i32
      %dma_start3A_83 = arith.constant 0 : i32
      %dma_start3A_84 = tpu.memref_slice %arg8[%dma_start3A_73, %dma_start3A_82, %dma_start3A_83] : memref<2x64x512xf32, #tpu.memory_space<vmem>> -> memref<1x64x512xf32, #tpu.memory_space<vmem>>
      %dma_start3A_85 = tpu.memref_squeeze %dma_start3A_84 : memref<1x64x512xf32, #tpu.memory_space<vmem>> -> memref<64x512xf32, #tpu.memory_space<vmem>>
      tpu.enqueue_dma source(%dma_start3A_85 : memref<64x512xf32, #tpu.memory_space<vmem>>) target(%dma_start3A_81 : memref<64x512xf32, #tpu.memory_space<hbm>>) target_semaphore(%arg11 : memref<!tpu.dma_semaphore, #tpu.memory_space<semaphore_mem>>)
      %dma_wait3A_86 = arith.constant 1 : i32
      %dma_wait3A_87 = arith.constant 0 : i32
      %dma_wait3A_88 = arith.constant 0 : i32
      %dma_wait3A_89 = tpu.memref_slice %arg8[%dma_wait3A_86, %dma_wait3A_87, %dma_wait3A_88] : memref<2x64x512xf32, #tpu.memory_space<vmem>> -> memref<1x64x512xf32, #tpu.memory_space<vmem>>
      %dma_wait3A_90 = tpu.memref_squeeze %dma_wait3A_89 : memref<1x64x512xf32, #tpu.memory_space<vmem>> -> memref<64x512xf32, #tpu.memory_space<vmem>>
      %dma_wait3A_91 = arith.constant 0 : i32
      %dma_wait3A_92 = arith.constant 0 : i32
      %dma_wait3A_93 = tpu.memref_slice %arg4[%dma_wait3A_91, %dma_wait3A_92] : memref<2048x512xf32, #tpu.memory_space<hbm>> -> memref<64x512xf32, #tpu.memory_space<hbm>>
      %dma_wait3A_94 = arith.constant 0 : i32
      %dma_wait3A_95 = arith.constant 0 : i32
      %dma_wait3A_96 = tpu.memref_slice %arg8[%dma_wait3A_86, %dma_wait3A_94, %dma_wait3A_95] : memref<2x64x512xf32, #tpu.memory_space<vmem>> -> memref<1x64x512xf32, #tpu.memory_space<vmem>>
      %dma_wait3A_97 = tpu.memref_squeeze %dma_wait3A_96 : memref<1x64x512xf32, #tpu.memory_space<vmem>> -> memref<64x512xf32, #tpu.memory_space<vmem>>
      %dma_wait3A_98 = arith.constant 0 : i32
      %dma_wait3A_99 = arith.constant 0 : i32
      %dma_wait3A_100 = tpu.memref_slice %arg4[%dma_wait3A_98, %dma_wait3A_99] : memref<2048x512xf32, #tpu.memory_space<hbm>> -> memref<64x512xf32, #tpu.memory_space<hbm>>
      tpu.wait_dma2 semaphore(%arg10 : memref<!tpu.dma_semaphore, #tpu.memory_space<semaphore_mem>>) src(%dma_wait3A_100 : memref<64x512xf32, #tpu.memory_space<hbm>>) dst(%dma_wait3A_97 : memref<64x512xf32, #tpu.memory_space<vmem>>)
      %dma_wait3A_101 = arith.constant 0 : i32
      %dma_wait3A_102 = arith.constant 0 : i32
      %dma_wait3A_103 = arith.constant 0 : i32
      %dma_wait3A_104 = tpu.memref_slice %arg8[%dma_wait3A_101, %dma_wait3A_102, %dma_wait3A_103] : memref<2x64x512xf32, #tpu.memory_space<vmem>> -> memref<1x64x512xf32, #tpu.memory_space<vmem>>
      %dma_wait3A_105 = tpu.memref_squeeze %dma_wait3A_104 : memref<1x64x512xf32, #tpu.memory_space<vmem>> -> memref<64x512xf32, #tpu.memory_space<vmem>>
      %dma_wait3A_106 = arith.constant 0 : i32
      %dma_wait3A_107 = tpu.memref_slice %arg5[%mul3A_2, %dma_wait3A_106] : memref<262144x512xf32, #tpu.memory_space<hbm>> -> memref<64x512xf32, #tpu.memory_space<hbm>>
      %dma_wait3A_108 = arith.constant 0 : i32
      %dma_wait3A_109 = tpu.memref_slice %arg5[%mul3A_2, %dma_wait3A_108] : memref<262144x512xf32, #tpu.memory_space<hbm>> -> memref<64x512xf32, #tpu.memory_space<hbm>>
      %dma_wait3A_110 = arith.constant 0 : i32
      %dma_wait3A_111 = arith.constant 0 : i32
      %dma_wait3A_112 = tpu.memref_slice %arg8[%dma_wait3A_101, %dma_wait3A_110, %dma_wait3A_111] : memref<2x64x512xf32, #tpu.memory_space<vmem>> -> memref<1x64x512xf32, #tpu.memory_space<vmem>>
      %dma_wait3A_113 = tpu.memref_squeeze %dma_wait3A_112 : memref<1x64x512xf32, #tpu.memory_space<vmem>> -> memref<64x512xf32, #tpu.memory_space<vmem>>
      tpu.wait_dma2 semaphore(%arg11 : memref<!tpu.dma_semaphore, #tpu.memory_space<semaphore_mem>>) src(%dma_wait3A_113 : memref<64x512xf32, #tpu.memory_space<vmem>>) dst(%dma_wait3A_109 : memref<64x512xf32, #tpu.memory_space<hbm>>)
      %lt3A = arith.constant 63 : i32
      %lt3A_114 = arith.cmpi slt, %scan3A_37, %lt3A : i32
      %convert_element_type3A_115 = arith.extui %lt3A_114 : i1 to i32
      %cond3A_116 = arith.constant 0 : i32
      %cond3A_117 = arith.cmpi ne, %convert_element_type3A_115, %cond3A_116 : i32
      scf.if %cond3A_117 {
        %add3A_134 = arith.constant 2 : i32
        %add3A_135 = arith.addi %mul3A_39, %add3A_134 : i32
        %mul3A_136 = arith.constant 64 : i32
        %mul3A_137 = arith.muli %add3A_135, %mul3A_136 : i32
        %dma_start3A_138 = arith.constant 0 : i32
        %dma_start3A_139 = arith.constant 0 : i32
        %dma_start3A_140 = arith.constant 0 : i32
        %dma_start3A_141 = tpu.memref_slice %arg8[%dma_start3A_138, %dma_start3A_139, %dma_start3A_140] : memref<2x64x512xf32, #tpu.memory_space<vmem>> -> memref<1x64x512xf32, #tpu.memory_space<vmem>>
        %dma_start3A_142 = tpu.memref_squeeze %dma_start3A_141 : memref<1x64x512xf32, #tpu.memory_space<vmem>> -> memref<64x512xf32, #tpu.memory_space<vmem>>
        %dma_start3A_143 = tpu.memref_slice %arg6[%mul3A_137] : memref<8192xi32, #tpu.memory_space<vmem>> -> memref<64xi32, #tpu.memory_space<vmem>>
        %dma_start3A_144 = arith.constant 0 : i32
        %dma_start3A_145 = arith.constant 0 : i32
        %dma_start3A_146 = tpu.memref_slice %arg4[%dma_start3A_144, %dma_start3A_145] : memref<2048x512xf32, #tpu.memory_space<hbm>> -> memref<2048x512xf32, #tpu.memory_space<hbm>>
        tpu.enqueue_indirect_dma source(%dma_start3A_146 : memref<2048x512xf32, #tpu.memory_space<hbm>>) target(%dma_start3A_142 : memref<64x512xf32, #tpu.memory_space<vmem>>) offsets(%dma_start3A_143 : memref<64xi32, #tpu.memory_space<vmem>>) semaphore(%arg9 : memref<!tpu.dma_semaphore, #tpu.memory_space<semaphore_mem>>)
      } else {
      }
      %mul3A_118 = arith.constant 64 : i32
      %mul3A_119 = arith.muli %add3A_41, %mul3A_118 : i32
      %add3A_120 = arith.addi %mul3A_2, %mul3A_119 : i32
      %dma_start3A_121 = arith.constant 1 : i32
      %dma_start3A_122 = arith.constant 0 : i32
      %dma_start3A_123 = arith.constant 0 : i32
      %dma_start3A_124 = tpu.memref_slice %arg8[%dma_start3A_121, %dma_start3A_122, %dma_start3A_123] : memref<2x64x512xf32, #tpu.memory_space<vmem>> -> memref<1x64x512xf32, #tpu.memory_space<vmem>>
      %dma_start3A_125 = tpu.memref_squeeze %dma_start3A_124 : memref<1x64x512xf32, #tpu.memory_space<vmem>> -> memref<64x512xf32, #tpu.memory_space<vmem>>
      %dma_start3A_126 = arith.constant 0 : i32
      %dma_start3A_127 = tpu.memref_slice %arg5[%add3A_120, %dma_start3A_126] : memref<262144x512xf32, #tpu.memory_space<hbm>> -> memref<64x512xf32, #tpu.memory_space<hbm>>
      %dma_start3A_128 = arith.constant 0 : i32
      %dma_start3A_129 = tpu.memref_slice %arg5[%add3A_120, %dma_start3A_128] : memref<262144x512xf32, #tpu.memory_space<hbm>> -> memref<64x512xf32, #tpu.memory_space<hbm>>
      %dma_start3A_130 = arith.constant 0 : i32
      %dma_start3A_131 = arith.constant 0 : i32
      %dma_start3A_132 = tpu.memref_slice %arg8[%dma_start3A_121, %dma_start3A_130, %dma_start3A_131] : memref<2x64x512xf32, #tpu.memory_space<vmem>> -> memref<1x64x512xf32, #tpu.memory_space<vmem>>
      %dma_start3A_133 = tpu.memref_squeeze %dma_start3A_132 : memref<1x64x512xf32, #tpu.memory_space<vmem>> -> memref<64x512xf32, #tpu.memory_space<vmem>>
      tpu.enqueue_dma source(%dma_start3A_133 : memref<64x512xf32, #tpu.memory_space<vmem>>) target(%dma_start3A_129 : memref<64x512xf32, #tpu.memory_space<hbm>>) target_semaphore(%arg12 : memref<!tpu.dma_semaphore, #tpu.memory_space<semaphore_mem>>)
    }
    %scan3A_24 = arith.constant 64 : i32
    %dma_wait3A = arith.constant 1 : i32
    %dma_wait3A_25 = arith.constant 0 : i32
    %dma_wait3A_26 = arith.constant 0 : i32
    %dma_wait3A_27 = tpu.memref_slice %arg8[%dma_wait3A, %dma_wait3A_25, %dma_wait3A_26] : memref<2x64x512xf32, #tpu.memory_space<vmem>> -> memref<1x64x512xf32, #tpu.memory_space<vmem>>
    %dma_wait3A_28 = tpu.memref_squeeze %dma_wait3A_27 : memref<1x64x512xf32, #tpu.memory_space<vmem>> -> memref<64x512xf32, #tpu.memory_space<vmem>>
    %dma_wait3A_29 = arith.constant 0 : i32
    %dma_wait3A_30 = tpu.memref_slice %arg5[%mul3A_2, %dma_wait3A_29] : memref<262144x512xf32, #tpu.memory_space<hbm>> -> memref<64x512xf32, #tpu.memory_space<hbm>>
    %dma_wait3A_31 = arith.constant 0 : i32
    %dma_wait3A_32 = tpu.memref_slice %arg5[%mul3A_2, %dma_wait3A_31] : memref<262144x512xf32, #tpu.memory_space<hbm>> -> memref<64x512xf32, #tpu.memory_space<hbm>>
    %dma_wait3A_33 = arith.constant 0 : i32
    %dma_wait3A_34 = arith.constant 0 : i32
    %dma_wait3A_35 = tpu.memref_slice %arg8[%dma_wait3A, %dma_wait3A_33, %dma_wait3A_34] : memref<2x64x512xf32, #tpu.memory_space<vmem>> -> memref<1x64x512xf32, #tpu.memory_space<vmem>>
    %dma_wait3A_36 = tpu.memref_squeeze %dma_wait3A_35 : memref<1x64x512xf32, #tpu.memory_space<vmem>> -> memref<64x512xf32, #tpu.memory_space<vmem>>
    tpu.wait_dma2 semaphore(%arg12 : memref<!tpu.dma_semaphore, #tpu.memory_space<semaphore_mem>>) src(%dma_wait3A_36 : memref<64x512xf32, #tpu.memory_space<vmem>>) dst(%dma_wait3A_32 : memref<64x512xf32, #tpu.memory_space<hbm>>)
    return
  }
}

</mosaic_0001>

<sc_bundles>
// kernel: kernel.3.cloned.1.call-start
scs
__scs_entry_jumppad:
0x0: {  	(pc) =	sbr.rel $0x88, $3  }
0x1: {  	(tag) =	ssettag $0x0;
	lr =	simm.s32 $0x1  }
0x2: {  	[smem:$0x3F9E] =	sst lr;
	_ =	strace $0xD0000000  }
0x3: {  	_ = 	snop  }
0x4: {  	_ = 	snop  }
0x5: {  	_ = 	snop  }
0x6: {  	_ = 	snop  }
0x7: {  	_ = 	snop  }
__scs_overlays_trampoline_lowered:
0x8: {  	[smem:$0x3FAD] =	sst s0  }
0x9: {  	[smem:$0x3FAE] =	sst s1  }
0xa: {  	[smem:$0x3FAF] =	sst s2  }
0xb: {  	[smem:$0x3FB0] =	sst s3  }
0xc: {  	[smem:$0x3FB1] =	sst s4  }
0xd: {  	[smem:$0x3FB2] =	sst s5  }
0xe: {  	[smem:$0x3FB3] =	sst s6  }
0xf: {  	[smem:$0x3FB4] =	sst s7  }
0x10: {  	[smem:$0x3FB5] =	sst s8  }
0x11: {  	[smem:$0x3FB6] =	sst s9;
	s0 =	simm.s32 @!p0 $0x0  }
0x12: {  	s1 =	sld [smem:$0x3F9C];
	s0 =	simm.s32 @p0 $0x1  }
0x13: {  	[smem:$0x3FB7] =	sst s0;
	s0 =	simm.s32 @!p1 $0x0  }
0x14: {  	s2 =	sld [smem:$0x3F9B];
	s0 =	simm.s32 @p1 $0x1  }
0x15: {  	[smem:$0x3FB8] =	sst s0;
	s0 =	simm.s32 @!p2 $0x0  }
0x16: {  	s3 =	sld [smem:$0x3FDB];
	s0 =	simm.s32 @p2 $0x1  }
0x17: {  	s4 =	simm.s32 $0x1BF5;
	[smem:$0x3FBA] =	sst s0  }
0x18: {  	s0 =	sld [smem:$0x3F9D];
	_ =	swait.ge [sflag:s4], $0x0  }
0x19: {  	s7 =	sld [smem:$0x3F9E]  }
0x1a: {  	s8 =	sadd.s32 $0xFFFFE003, lr  }
0x1b: {  	s9 =	sadd.s32 $0xFFFFFEF7, lr;
	s5 =	simm.s32 $0xFFFFFFFF;
	p2 =	slt.u32 s8, $0xFFFFF086  }
0x1c: {  	p1 =	slt.u32 s9, $0xF7A;
	s5 =	simm.s32 @!p2 $0x0  }
0x1d: {  	s5 =	simm.s32 @p1 $0x1;
	p0 =	seq.s32 s7, s2  }
0x1e: {  	s7 =	smul.u32 @!p0 $0xF7A, s2;
	p2 =	seq.s32 @!p0 s5, $0x0  }
0x1f: {  	s9 =	smul.u32 $0xF7A, s1;
	s8 =	simm.s32 @!p0 $0x1BF5;
	p2 =	por !p2, p0  }
0x20: {  	[sflag:s8] =	ssyncset.s32 @!p0 $0xFFFFF086;
	s6 =	sadd.s32 @!p0 s3, s7;
	s7 =	simm.s32 @!p0 $0x108  }
0x21: {  	s3 =	sadd.s32 s3, s9;
	s6 =	sadd.s32 @!p0 $0x88, s6;
	s7 =	simm.s32 @p2 $0x1082  }
0x22: {  	[simem:s7], [sflag:s8] =	dma.local @!p0 [hbm:s6], $0xF7A  }
0x23: {  	s9 =	sor.u32 $0xD0000000, s2;
	s6 =	simm.s32 $0x108;
	_ =	swait.ge @!p0 [sflag:s8], $0x0  }
0x24: {  	s3 =	sadd.s32 $0x88, s3;
	s6 =	simm.s32 @!p1 $0x1082;
	[sflag:s4] =	ssyncset.s32 $0xFFFFF086  }
0x25: {  	[simem:s6], [sflag:s4] =	dma.local [hbm:s3], $0xF7A  }
0x26: {  	[smem:$0x3F9E] =	sst s1;
	(tag) =	ssettag s2;
	_ =	strace s9  }
0x27: {  	s1 =	sld [smem:$0x3FAE]  }
0x28: {  	s2 =	sld [smem:$0x3FAF]  }
0x29: {  	s4 =	sld [smem:$0x3FB1]  }
0x2a: {  	p0 =	seq.s32 s5, $0x0;
	s5 =	sld [smem:$0x3FB2]  }
0x2b: {  	s6 =	sld [smem:$0x3FB3]  }
0x2c: {  	s7 =	sld [smem:$0x3FB4]  }
0x2d: {  	s3 =	simm.s32 $0x108;
	s8 =	sld [smem:$0x3FB5]  }
0x2e: {  	s3 =	simm.s32 @!p0 $0x1082;
	s9 =	sld [smem:$0x3FB6]  }
0x2f: {  	lr =	sadd.s32 s0, s3;
	s0 =	sld [smem:$0x3FAD]  }
0x30: {  	s3 =	sld [smem:$0x3FB0]  }
0x31: {  	[smem:$0x3FB9] =	sst s10  }
0x32: {  	s10 =	sld [smem:$0x3FB7];
	_ =	sdelay $0x3  }
0x33: {  	p0 =	seq.s32 s10, $0x1;
	s10 =	sld [smem:$0x3FB9];
	_ =	sdelay $0x3  }
0x34: {  	[smem:$0x3FB9] =	sst s10  }
0x35: {  	s10 =	sld [smem:$0x3FB8];
	_ =	sdelay $0x3  }
0x36: {  	p1 =	seq.s32 s10, $0x1;
	s10 =	sld [smem:$0x3FB9];
	_ =	sdelay $0x3  }
0x37: {  	[smem:$0x3FB9] =	sst s10  }
0x38: {  	s10 =	sld [smem:$0x3FBA]  }
0x39: {  	_ = 	snop;
	(pc) =	sbr.ind lr, $3  }
0x3a: {  	_ = 	snop  }
0x3b: {  	_ = 	snop  }
0x3c: {  	p2 =	seq.s32 s10, $0x1;
	s10 =	sld [smem:$0x3FB9]  }
0x3d: {  	_ =	shalt  }
0x3e: {  	_ =	shalt  }
0x3f: {  	_ =	shalt  }
0x40: {  	_ =	shalt  }
0x41: {  	_ =	shalt  }
0x42: {  	_ =	shalt  }
0x43: {  	_ =	shalt  }
0x44: {  	_ =	shalt  }
0x45: {  	_ =	shalt  }
0x46: {  	_ =	shalt  }
0x47: {  	_ =	shalt  }
0x48: {  	_ =	shalt  }
0x49: {  	_ =	shalt  }
0x4a: {  	_ =	shalt  }
0x4b: {  	_ =	shalt  }
0x4c: {  	_ =	shalt  }
0x4d: {  	_ =	shalt  }
0x4e: {  	_ =	shalt  }
0x4f: {  	_ =	shalt  }
0x50: {  	_ =	shalt  }
0x51: {  	_ =	shalt  }
0x52: {  	_ =	shalt  }
0x53: {  	_ =	shalt  }
0x54: {  	_ =	shalt  }
0x55: {  	_ =	shalt  }
0x56: {  	_ =	shalt  }
0x57: {  	_ =	shalt  }
0x58: {  	_ =	shalt  }
0x59: {  	_ =	shalt  }
0x5a: {  	_ =	shalt  }
0x5b: {  	_ =	shalt  }
0x5c: {  	_ =	shalt  }
0x5d: {  	_ =	shalt  }
0x5e: {  	_ =	shalt  }
0x5f: {  	_ =	shalt  }
0x60: {  	_ =	shalt  }
0x61: {  	_ =	shalt  }
0x62: {  	_ =	shalt  }
0x63: {  	_ =	shalt  }
0x64: {  	_ =	shalt  }
0x65: {  	_ =	shalt  }
0x66: {  	_ =	shalt  }
0x67: {  	_ =	shalt  }
0x68: {  	_ =	shalt  }
0x69: {  	_ =	shalt  }
0x6a: {  	_ =	shalt  }
0x6b: {  	_ =	shalt  }
0x6c: {  	_ =	shalt  }
0x6d: {  	_ =	shalt  }
0x6e: {  	_ =	shalt  }
0x6f: {  	_ =	shalt  }
0x70: {  	_ =	shalt  }
0x71: {  	_ =	shalt  }
0x72: {  	_ =	shalt  }
0x73: {  	_ =	shalt  }
0x74: {  	_ =	shalt  }
0x75: {  	_ =	shalt  }
0x76: {  	_ =	shalt  }
0x77: {  	_ =	shalt  }
0x78: {  	_ =	shalt  }
0x79: {  	_ =	shalt  }
0x7a: {  	_ =	shalt  }
0x7b: {  	_ =	shalt  }
0x7c: {  	_ =	shalt  }
0x7d: {  	_ =	shalt  }
0x7e: {  	_ =	shalt  }
0x7f: {  	_ =	shalt  }
0x80: {  	_ =	shalt  }
0x81: {  	_ =	shalt  }
0x82: {  	_ =	shalt  }
0x83: {  	_ =	shalt  }
0x84: {  	_ =	shalt  }
0x85: {  	_ =	shalt  }
0x86: {  	_ =	shalt  }
0x87: {  	_ =	shalt  }
.Lfunc_end0:
.L_simem_size_0:
called_computation_lowered:
.L_overlay_start_0:
0x88: {  	s2 =	sld [smem:$0x3FD9]  }
0x89: {  	s3 =	sld [smem:$0x3FFE];
	_ =	sdelay $0x1  }
0x8a: {  	s1 =	srdreg.scid  }
0x8b: {  	s0 =	sand.u32 $0x1, s1  }
0x8c: {  	s17 =	sshll.u32 s0, $0xA;
	s2 =	sadd.s32 s3, s2  }
0x8d: {  	s2 =	sadd.s32 s2, s17  }
0x8e: {  	[smem:$0x3FC5] =	sst s2  }
0x8f: {  	_ = 	snop  }
0x90: {  	s2 =	sld [smem:$0x3FD0];
	(tm) =	ssettm $0x1  }
0x91: {  	s18 =	sld [smem:$0x3FFB];
	_ =	sdelay $0x3  }
0x92: {  	_ =	strace s18  }
0x93: {  	s3 =	sld [smem:$0x3FFC];
	_ =	sdelay $0x3  }
0x94: {  	_ =	strace s3  }
0x95: {  	s3 =	sld [smem:$0x3FFD];
	_ =	sdelay $0x3  }
0x96: {  	_ =	strace s3  }
0x97: {  	_ =	strace $0x8FFFFFFF  }
0x98: {  	s19 =	sld [smem:$0x3FDB];
	_ =	sdelay $0x1  }
0x99: {  	s4 =	simm.s32 $_scs_section_size  }
0x9a: {  	s5 =	simm.s32 $_size__tile_overlayer_lowered;
	s6 =	simm.s32 $_tile_overlayer_lowered  }
0x9b: {  	s22 =	simm.s32 $0x1BFF;
	s21 =	sshll.u32 s6, $0x1;
	s3 =	sadd.s32 s4, s19  }
0x9c: {  	s7 =	simm.s32 $0x0;
	s20 =	sshll.u32 s5, $0x1;
	s5 =	sadd.s32 s21, s3  }
0x9d: {  	[timem:s7], [sflag:s22] =	dma.local [hbm:s5], s20  }
0x9e: {  	_ =	swait.ge [sflag:s22], s20  }
0x9f: {  	s4 =	ssub.s32 $0x0, s20;
	[sflag:s22] =	ssyncset.done $0x0  }
0xa0: {  	[sflag:s22] =	ssyncadd.s32 s4;
	_ =	sdelay $0x1  }
0xa1: {  	s23 =	simm.s32 $0x1B8B  }
0xa2: {  	_ =	swait.ge [sflag:s23], $0x1  }
0xa3: {  	[sflag:s23] =	ssyncset.done $0x0  }
0xa4: {  	s25 =	simm.s32 $0x1B8E;
	s24 =	sld [smem:$0x3FFE];
	[sflag:s23] =	ssyncadd.s32 $0xFFFFFFFF  }
0xa5: {  	s26 =	simm.s32 $execute0_lowered;
	[smem:$0x3FD2] =	sst s25  }
0xa6: {  	s5 =	sshll.u32 s26, $0x1;
	_ =	strace $0x80000046;
	[dreg:$0x1] =	wrdreg $0xFFFFFFFF  }
0xa7: {  	s28 =	simm.s32 $_size_execute0_lowered;
	s3 =	sadd.s32 s3, s5;
	[dreg:$0x0] =	wrdreg $0x0  }
0xa8: {  	s5 =	sshll.u32 s28, $0x1;
	[dreg:$0x2] =	wrdreg s3  }
0xa9: {  	[dreg:$0x3] =	wrdreg s5  }
0xaa: {  	[dreg:$0x4] =	wrdreg $0xC0  }
0xab: {  	_ =	task [dreg:s7], $0x5FFFF  }
0xac: {  	[dreg:$0x1] =	wrdreg $0xFFFFFFFF  }
0xad: {  	[dreg:$0x0] =	wrdreg $0x60  }
0xae: {  	[dreg:$0x2] =	wrdreg s24  }
0xaf: {  	[dreg:$0x3] =	wrdreg s2  }
0xb0: {  	[dreg:$0x4] =	wrdreg $0x9  }
0xb1: {  	_ =	task.clear_ibuf [dreg:s7], $0x5FFFF;
	_ =	strace $0x90000046  }
0xb2: {  	s29 =	simm.s32 $0x9;
	_ =	strace $0x80000048  }
0xb3: {  	_ =	swait.ge [sflag:s29], $0x1  }
0xb4: {  	[sflag:s29] =	ssyncadd.s32 $0xFFFFFFFF  }
0xb5: {  	_ =	strace $0x90000048  }
0xb6: {  	_ =	sfence  }
0xb7: {  	s30 =	sld [smem:$0x0];
	_ =	sdelay $0x2  }
0xb8: {  	s31 =	sshll.u32 s1, $0xD;
	s1 =	sshrl.u32 s1, $0x2  }
0xb9: {  	s3 =	sand.u32 $0x4000, s31;
	s1 =	sadd.s32 s1, s30  }
0xba: {  	s0 =	sor.u32 s3, s0;
	s1 =	sshll.u32 s1, $0x11  }
0xbb: {  	s0 =	sor.u32 s1, s0  }
0xbc: {  	s0 =	sadd.s32 $0x8F2B, s0  }
0xbd: {  	[sflag:s0] =	ssyncadd.remote.s32 $0x1  }
0xbe: {  	_ =	sfence.sel $0xFFFF  }
0xbf: {  	[dreg:$0x0] =	wrdreg $0xFFFFFFFF;
	(pc) =	sbr.abs _section_cstart, $3  }
0xc0: {  	[dreg:$0x1] =	wrdreg $0xFFFFFFFF  }
0xc1: {  	_ =	task.clear_ibuf [dreg:s7], $0x2FFFF;
	_ =	strace $0x9FFFFFFF  }
0xc2: {  	(tm) =	ssettm $0x7FFFFFFF  }
0xc3: {  	_ =	shalt  }
tec
execute0_lowered:
.L_overlay_start_1:
0x0: {  	(tag) =	ssettag $0x1  }
0x1: {  	s0 =	rddreg [dreg:$0x0]  }
0x2: {  	s1 =	rddreg [dreg:$0x1]  }
0x3: {  	s3 =	srdreg.scid;
	s9 =	stileid.u32;
	s2 =	simm.s32 $0x0  }
0x4: {  	s11 =	simm.s32 $0x4000;
	s28 =	simm.s32 $0x1;
	s29 =	simm.s32 $0xC000  }
0x5: {  	s30 =	simm.s32 $0xC800;
	s31 =	simm.s32 $0xD000;
	s10 =	simm.s32 $0xE800  }
0x6: {  	s12 =	simm.s32 $0x11000;
	s13 =	simm.s32 $0x11800;
	s14 =	simm.s32 $0x12000  }
0x7: {  	s15 =	simm.s32 $0x12800;
	s17 =	simm.s32 $0x13800;
	s18 =	simm.s32 $0x2  }
0x8: {  	s19 =	simm.s32 $0x3;
	s4 =	sand.u32 $0x1, s3;
	s22 =	sshll.u32 s9, $0x1  }
0x9: {  	[smem:$0x7FF] =	sst s2;
	s24 =	sshll.u32 s9, $0x14;
	s9 =	simm.s32 $0x10800  }
0xa: {  	s5 =	sor.u32 s4, s22;
	s6 =	ssub.s32 $0x2, s4;
	_ =	strace $0x80000047  }
0xb: {  	s1 =	sadd.s32 s24, s1;
	s4 =	sshll.u32 s4, $0x13;
	s24 =	simm.s32 $0xA800  }
0xc: {  	s22 =	simm.s32 $0x0;
	s3 =	sshll.u32 s5, $0xA;
	s7 =	sshrl.u32 s6, $0x1  }
0xd: {  	s16 =	sshll.u32 s5, $0x6;
	s5 =	simm.s32 $0xF800;
	s8 =	sadd.s32 s3, s0  }
0xe: {  	s3 =	sadd.s32 $0x10400, s0;
	s7 =	ssub.s32 s6, s7;
	s6 =	sadd.s32 $0x10500, s0  }
.Ltmp0:
0xf: {  	s0 =	simm.s32 $0xD800;
	v0 =	vmov s16;
	s16 =	simm.s32 $0x13000;
	(pc) =	sbr.rel .LBB2_1-.Ltmp0, $4  }
0x10: {  	s23 =	sadd.s32 $0x400, s8;
	s25 =	sadd.s32 $0x8400, s8;
	s26 =	smax.u32 s7, $0x1  }
0x11: {  	v3 =	vlaneseq.u32;
	s8 =	sadd.s32 s4, s1;
	s1 =	simm.s32 $0xE000;
	[dreg:$0x3] =	wrdreg s23  }
0x12: {  	vm0 =	vmmov $0xffff;
	v2 =	vshrl.u32 v3, $0x3;
	s4 =	simm.s32 $0xF000;
	s7 =	simm.s32 $0x10000;
	[dreg:$0x4] =	wrdreg s25  }
0x13: {  	v1 =	vand.u32 $0x7, v3;
	v3 =	vor.u32 $0x8, v3;
	v2 =	vmul.u32 $0x8, v2;
	[dreg:$0x5] =	wrdreg s26;
	s25 =	simm.s32 $0xB000;
	s26 =	simm.s32 $0xB800  }
.LBB2_7:
0x14: {  	s21 =	simm.s32 $0x4  }
0x15: {  	_ =	swait.ge [sflag:s21], $0x8000  }
0x16: {  	s22 =	rddreg [dreg:$0x6]  }
0x17: {  	s20 =	rddreg [dreg:$0x5];
	s22 =	sadd.s32 $0x1, s22  }
0x18: {  	p0 =	sne.s32 s22, s20  }
.Ltmp1:
0x19: {  	_ = 	snop;
	(pc) =	sbr.rel @!p0 .LBB2_8-.Ltmp1, $3  }
0x1a: {  	_ =	sdelay $0x1  }
0x1b: {  	[sflag:s21] =	ssyncset.done $0x0  }
0x1c: {  	[sflag:s21] =	ssyncadd.s32 $0xFFFF8000  }
.LBB2_1:
0x1d: {  	[dreg:$0x6] =	wrdreg s22  }
0x1e: {  	s20 =	rddreg [dreg:$0x3];
	s21 =	simm.s32 $0x5  }
0x1f: {  	[tilespmem:s2], [sflag:$0x5] =	stream.linear.gather [hbm4b:s20+s2], $0x2000, $0x38;
	[tilespmem:$0x14000] =	vst v63  }
0x20: {  	_ =	swait.ge [sflag:s21], $0x2000  }
0x21: {  	[sflag:s21] =	ssyncset.done $0x0  }
0x22: {  	s23 =	simm.s32 $0x2000;
	s22 =	rddreg [dreg:$0x4];
	[sflag:s21] =	ssyncadd.s32 $0xFFFFE000  }
0x23: {  	[tilespmem:s23], [sflag:$0x5] =	stream.linear.gather [hbm4b:s22+s2], $0x2000, $0x38;
	[tilespmem:$0x14000] =	vst v63  }
0x24: {  	_ =	swait.ge [sflag:s21], $0x2000  }
0x25: {  	[sflag:s21] =	ssyncset.done $0x0  }
0x26: {  	s20 =	simm.s32 $0x0;
	[sflag:s21] =	ssyncadd.s32 $0xFFFFE000;
	s21 =	simm.s32 $0x40  }
.LBB2_2:
0x27: {  	p0 =	sne.s32 s21, $0x7FC0;
	v4 =	vld [tilespmem:s20+$0x0]  }
0x28: {  	v5 =	vld [tilespmem:s20+$0x2000];
	_ =	sdelay $0x1  }
.Ltmp2:
0x29: {  	(pc) =	sbr.rel @p0 .LBB2_2-.Ltmp2, $4  }
0x2a: {  	_ = 	snop  }
0x2b: {  	v4 =	vadd.s32 v0, v4  }
0x2c: {  	v4 =	vadd.s32 v5, v4  }
0x2d: {  	[tilespmem:s20+$0x0] =	vst v4;
	s20 =	sshra.s32 s21, $0x2;
	s21 =	sadd.s32 $0x40, s21  }
0x2e: {  	v4 =	vld [tilespmem:s20+$0x0]  }
0x2f: {  	v5 =	vld [tilespmem:s20+$0x2000];
	_ =	sdelay $0x3  }
0x30: {  	v4 =	vadd.s32 v0, v4  }
0x31: {  	v4 =	vadd.s32 v5, v4  }
0x32: {  	[tilespmem:s20+$0x0] =	vst v4  }
0x33: {  	v4 =	vld [tilespmem:$0x0];
	_ =	sdelay $0x4  }
0x34: {  	v5 =	vshll.u32 v4, $0x2  }
0x35: {  	v4 =	vand.u32 $0x7, v4;
	v5 =	vand.u32 $0xFFFFFFE0, v5  }
0x36: {  	v4 =	vor.u32 v4, v5  }
0x37: {  	v5 =	vperm.xlane v4, v1;
	_ =	sdelay $0x1  }
0x38: {  	v5 =	vadd.s32 v2, v5;
	_ =	sdelay $0x1  }
0x39: {  	v4 =	vperm.xlane v4, v3;
	_ =	sdelay $0x1  }
0x3a: {  	s20 =	simm.s32 $0x0;
	v4 =	vadd.s32 v2, v4  }
0x3b: {  	[tilespmem:s11], [sflag:$0x1] =	stream.indirect_vreg.gather [hbm4b:s3+s20], $0x80, v5, vm0, $0xb8;
	[tilespmem:$0x14000] =	vst v63  }
0x3c: {  	s21 =	simm.s32 $0x4800  }
0x3d: {  	[tilespmem:s21], [sflag:$0x1] =	stream.indirect_vreg.gather [hbm4b:s6+s20], $0x80, v5, vm0, $0xb8;
	[tilespmem:$0x14000] =	vst v63  }
0x3e: {  	s23 =	simm.s32 $0x5000  }
0x3f: {  	[tilespmem:s23], [sflag:$0x1] =	stream.indirect_vreg.gather [hbm4b:s3+s20], $0x80, v4, vm0, $0xb8;
	[tilespmem:$0x14000] =	vst v63  }
0x40: {  	s22 =	simm.s32 $0x5800  }
0x41: {  	[tilespmem:s22], [sflag:$0x1] =	stream.indirect_vreg.gather [hbm4b:s6+s20], $0x80, v4, vm0, $0xb8;
	[tilespmem:$0x14000] =	vst v63  }
0x42: {  	v4 =	vld [tilespmem:$0x10];
	_ =	sdelay $0x4  }
0x43: {  	v5 =	vshll.u32 v4, $0x2  }
0x44: {  	v4 =	vand.u32 $0x7, v4;
	v5 =	vand.u32 $0xFFFFFFE0, v5  }
0x45: {  	v4 =	vor.u32 v4, v5  }
0x46: {  	v5 =	vperm.xlane v4, v1;
	_ =	sdelay $0x1  }
0x47: {  	v5 =	vadd.s32 v2, v5;
	_ =	sdelay $0x1  }
0x48: {  	v4 =	vperm.xlane v4, v3;
	_ =	sdelay $0x1  }
0x49: {  	s23 =	simm.s32 $0x6000;
	v4 =	vadd.s32 v2, v4  }
0x4a: {  	[tilespmem:s23], [sflag:$0x1] =	stream.indirect_vreg.gather [hbm4b:s3+s20], $0x80, v5, vm0, $0xb8;
	[tilespmem:$0x14000] =	vst v63  }
0x4b: {  	s22 =	simm.s32 $0x6800  }
0x4c: {  	[tilespmem:s22], [sflag:$0x1] =	stream.indirect_vreg.gather [hbm4b:s6+s20], $0x80, v5, vm0, $0xb8;
	[tilespmem:$0x14000] =	vst v63  }
0x4d: {  	s23 =	simm.s32 $0x7000  }
0x4e: {  	[tilespmem:s23], [sflag:$0x1] =	stream.indirect_vreg.gather [hbm4b:s3+s20], $0x80, v4, vm0, $0xb8;
	[tilespmem:$0x14000] =	vst v63  }
0x4f: {  	s22 =	simm.s32 $0x7800  }
0x50: {  	[tilespmem:s22], [sflag:$0x1] =	stream.indirect_vreg.gather [hbm4b:s6+s20], $0x80, v4, vm0, $0xb8;
	[tilespmem:$0x14000] =	vst v63  }
0x51: {  	v4 =	vld [tilespmem:$0x20];
	_ =	sdelay $0x4  }
0x52: {  	v5 =	vshll.u32 v4, $0x2  }
0x53: {  	v4 =	vand.u32 $0x7, v4;
	v5 =	vand.u32 $0xFFFFFFE0, v5  }
0x54: {  	v4 =	vor.u32 v4, v5  }
0x55: {  	v5 =	vperm.xlane v4, v1;
	_ =	sdelay $0x1  }
0x56: {  	v5 =	vadd.s32 v2, v5;
	_ =	sdelay $0x1  }
0x57: {  	v4 =	vperm.xlane v4, v3;
	_ =	sdelay $0x1  }
0x58: {  	s23 =	simm.s32 $0x8000;
	v4 =	vadd.s32 v2, v4  }
0x59: {  	[tilespmem:s23], [sflag:$0x1] =	stream.indirect_vreg.gather [hbm4b:s3+s20], $0x80, v5, vm0, $0xb8;
	[tilespmem:$0x14000] =	vst v63  }
0x5a: {  	s22 =	simm.s32 $0x8800  }
0x5b: {  	[tilespmem:s22], [sflag:$0x1] =	stream.indirect_vreg.gather [hbm4b:s6+s20], $0x80, v5, vm0, $0xb8;
	[tilespmem:$0x14000] =	vst v63  }
0x5c: {  	s23 =	simm.s32 $0x9000  }
0x5d: {  	[tilespmem:s23], [sflag:$0x1] =	stream.indirect_vreg.gather [hbm4b:s3+s20], $0x80, v4, vm0, $0xb8;
	[tilespmem:$0x14000] =	vst v63  }
0x5e: {  	s22 =	simm.s32 $0x9800  }
0x5f: {  	[tilespmem:s22], [sflag:$0x1] =	stream.indirect_vreg.gather [hbm4b:s6+s20], $0x80, v4, vm0, $0xb8;
	[tilespmem:$0x14000] =	vst v63  }
0x60: {  	v4 =	vld [tilespmem:$0x30];
	_ =	sdelay $0x4  }
0x61: {  	v5 =	vshll.u32 v4, $0x2  }
0x62: {  	v4 =	vand.u32 $0x7, v4;
	v5 =	vand.u32 $0xFFFFFFE0, v5  }
0x63: {  	v4 =	vor.u32 v4, v5  }
0x64: {  	v5 =	vperm.xlane v4, v1;
	_ =	sdelay $0x1  }
0x65: {  	v5 =	vadd.s32 v2, v5;
	_ =	sdelay $0x2  }
0x66: {  	v4 =	vperm.xlane v4, v3  }
0x67: {  	s23 =	simm.s32 $0xA000  }
0x68: {  	v4 =	vadd.s32 v2, v4;
	[tilespmem:s23], [sflag:$0x1] =	stream.indirect_vreg.gather [hbm4b:s3+s20], $0x80, v5, vm0, $0xb8;
	[tilespmem:$0x14000] =	vst v63  }
0x69: {  	_ = 	snop  }
0x6a: {  	[tilespmem:s24], [sflag:$0x1] =	stream.indirect_vreg.gather [hbm4b:s6+s20], $0x80, v5, vm0, $0xb8;
	[tilespmem:$0x14000] =	vst v63  }
.Ltmp3:
0x6b: {  	_ = 	snop;
	(pc) =	sbr.rel .LBB2_4-.Ltmp3, $4  }
0x6c: {  	_ = 	snop  }
0x6d: {  	[tilespmem:s25], [sflag:$0x1] =	stream.indirect_vreg.gather [hbm4b:s3+s20], $0x80, v4, vm0, $0xb8;
	[tilespmem:$0x14000] =	vst v63  }
0x6e: {  	s21 =	simm.s32 $0x60  }
0x6f: {  	[tilespmem:s26], [sflag:$0x1] =	stream.indirect_vreg.gather [hbm4b:s6+s20], $0x80, v4, vm0, $0xb8;
	[tilespmem:$0x14000] =	vst v63  }
.LBB2_6:
0x70: {  	s20 =	sadd.s32 $0x2000, s20  }
0x71: {  	p0 =	sne.s32 s20, $0x80000  }
.Ltmp4:
0x72: {  	_ = 	snop;
	(pc) =	sbr.rel @!p0 .LBB2_7-.Ltmp4, $3  }
0x73: {  	_ =	sdelay $0x1  }
0x74: {  	s22 =	sadd.s32 $0x1000, s22;
	s21 =	sadd.s32 $0x80, s21  }
0x75: {  	[hbm4b:s22+s2] =	stream.linear.scatter [tilespmem:s29], [sflag:$0x4], $0x8000, $0x38;
	[tilespmem:$0x14000] =	vst v63  }
.LBB2_4:
0x76: {  	_ =	swait.ge [sflag:s28], $0x8000  }
0x77: {  	p0 =	seq.s32 s20, $0x0;
	[sflag:s28] =	ssyncset.done $0x0  }
0x78: {  	s22 =	simm.s32 @!p0 $0x4;
	[sflag:s28] =	ssyncadd.s32 $0xFFFF8000  }
0x79: {  	_ =	swait.ge @!p0 [sflag:s22], $0x8000  }
0x7a: {  	[sflag:s22] =	ssyncset.done @!p0 $0x0  }
0x7b: {  	[sflag:s22] =	ssyncadd.s32 @!p0 $0xFFFF8000  }
0x7c: {  	v4 =	vld [tilespmem:s21+$0xFFFFFFE0];
	_ =	sdelay $0x4  }
0x7d: {  	v5 =	vshll.u32 v4, $0x2  }
0x7e: {  	v4 =	vand.u32 $0x7, v4;
	v5 =	vand.u32 $0xFFFFFFE0, v5  }
0x7f: {  	v4 =	vor.u32 v4, v5  }
0x80: {  	v5 =	vperm.xlane v4, v1;
	_ =	sdelay $0x1  }
0x81: {  	v5 =	vadd.s32 v2, v5;
	_ =	sdelay $0x1  }
0x82: {  	v4 =	vperm.xlane v4, v3;
	_ =	sdelay $0x1  }
0x83: {  	v4 =	vadd.s32 v2, v4  }
0x84: {  	[tilespmem:s29], [sflag:$0x2] =	stream.indirect_vreg.gather [hbm4b:s3+s2], $0x80, v5, vm0, $0xb8;
	[tilespmem:$0x14000] =	vst v63  }
0x85: {  	_ = 	snop  }
0x86: {  	[tilespmem:s30], [sflag:$0x2] =	stream.indirect_vreg.gather [hbm4b:s6+s2], $0x80, v5, vm0, $0xb8;
	[tilespmem:$0x14000] =	vst v63  }
0x87: {  	_ = 	snop  }
0x88: {  	[tilespmem:s31], [sflag:$0x2] =	stream.indirect_vreg.gather [hbm4b:s3+s2], $0x80, v4, vm0, $0xb8;
	[tilespmem:$0x14000] =	vst v63  }
0x89: {  	_ = 	snop  }
0x8a: {  	[tilespmem:s0], [sflag:$0x2] =	stream.indirect_vreg.gather [hbm4b:s6+s2], $0x80, v4, vm0, $0xb8;
	[tilespmem:$0x14000] =	vst v63  }
0x8b: {  	v4 =	vld [tilespmem:s21+$0xFFFFFFF0];
	_ =	sdelay $0x4  }
0x8c: {  	v5 =	vshll.u32 v4, $0x2  }
0x8d: {  	v4 =	vand.u32 $0x7, v4;
	v5 =	vand.u32 $0xFFFFFFE0, v5  }
0x8e: {  	v4 =	vor.u32 v4, v5  }
0x8f: {  	v5 =	vperm.xlane v4, v1;
	_ =	sdelay $0x1  }
0x90: {  	v5 =	vadd.s32 v2, v5;
	_ =	sdelay $0x1  }
0x91: {  	v4 =	vperm.xlane v4, v3;
	_ =	sdelay $0x1  }
0x92: {  	v4 =	vadd.s32 v2, v4  }
0x93: {  	[tilespmem:s1], [sflag:$0x2] =	stream.indirect_vreg.gather [hbm4b:s3+s2], $0x80, v5, vm0, $0xb8;
	[tilespmem:$0x14000] =	vst v63  }
0x94: {  	_ = 	snop  }
0x95: {  	[tilespmem:s10], [sflag:$0x2] =	stream.indirect_vreg.gather [hbm4b:s6+s2], $0x80, v5, vm0, $0xb8;
	[tilespmem:$0x14000] =	vst v63  }
0x96: {  	_ = 	snop  }
0x97: {  	[tilespmem:s4], [sflag:$0x2] =	stream.indirect_vreg.gather [hbm4b:s3+s2], $0x80, v4, vm0, $0xb8;
	[tilespmem:$0x14000] =	vst v63  }
0x98: {  	_ = 	snop  }
0x99: {  	[tilespmem:s5], [sflag:$0x2] =	stream.indirect_vreg.gather [hbm4b:s6+s2], $0x80, v4, vm0, $0xb8;
	[tilespmem:$0x14000] =	vst v63  }
0x9a: {  	v4 =	vld [tilespmem:s21+$0x0];
	_ =	sdelay $0x4  }
0x9b: {  	v5 =	vshll.u32 v4, $0x2  }
0x9c: {  	v4 =	vand.u32 $0x7, v4;
	v5 =	vand.u32 $0xFFFFFFE0, v5  }
0x9d: {  	v4 =	vor.u32 v4, v5  }
0x9e: {  	v5 =	vperm.xlane v4, v1;
	_ =	sdelay $0x1  }
0x9f: {  	v5 =	vadd.s32 v2, v5;
	_ =	sdelay $0x1  }
0xa0: {  	v4 =	vperm.xlane v4, v3;
	_ =	sdelay $0x1  }
0xa1: {  	v4 =	vadd.s32 v2, v4  }
0xa2: {  	[tilespmem:s7], [sflag:$0x2] =	stream.indirect_vreg.gather [hbm4b:s3+s2], $0x80, v5, vm0, $0xb8;
	[tilespmem:$0x14000] =	vst v63  }
0xa3: {  	_ = 	snop  }
0xa4: {  	[tilespmem:s9], [sflag:$0x2] =	stream.indirect_vreg.gather [hbm4b:s6+s2], $0x80, v5, vm0, $0xb8;
	[tilespmem:$0x14000] =	vst v63  }
0xa5: {  	_ = 	snop  }
0xa6: {  	[tilespmem:s12], [sflag:$0x2] =	stream.indirect_vreg.gather [hbm4b:s3+s2], $0x80, v4, vm0, $0xb8;
	[tilespmem:$0x14000] =	vst v63  }
0xa7: {  	_ = 	snop  }
0xa8: {  	[tilespmem:s13], [sflag:$0x2] =	stream.indirect_vreg.gather [hbm4b:s6+s2], $0x80, v4, vm0, $0xb8;
	[tilespmem:$0x14000] =	vst v63  }
0xa9: {  	v4 =	vld [tilespmem:s21+$0x10];
	_ =	sdelay $0x4  }
0xaa: {  	v5 =	vshll.u32 v4, $0x2  }
0xab: {  	v4 =	vand.u32 $0x7, v4;
	v5 =	vand.u32 $0xFFFFFFE0, v5  }
0xac: {  	v4 =	vor.u32 v4, v5  }
0xad: {  	v5 =	vperm.xlane v4, v1;
	_ =	sdelay $0x1  }
0xae: {  	v5 =	vadd.s32 v2, v5;
	_ =	sdelay $0x1  }
0xaf: {  	v4 =	vperm.xlane v4, v3;
	_ =	sdelay $0x1  }
0xb0: {  	v4 =	vadd.s32 v2, v4  }
0xb1: {  	[tilespmem:s14], [sflag:$0x2] =	stream.indirect_vreg.gather [hbm4b:s3+s2], $0x80, v5, vm0, $0xb8;
	[tilespmem:$0x14000] =	vst v63  }
0xb2: {  	_ = 	snop  }
0xb3: {  	[tilespmem:s15], [sflag:$0x2] =	stream.indirect_vreg.gather [hbm4b:s6+s2], $0x80, v5, vm0, $0xb8;
	[tilespmem:$0x14000] =	vst v63  }
0xb4: {  	_ = 	snop  }
0xb5: {  	[tilespmem:s16], [sflag:$0x2] =	stream.indirect_vreg.gather [hbm4b:s3+s2], $0x80, v4, vm0, $0xb8;
	[tilespmem:$0x14000] =	vst v63  }
0xb6: {  	_ = 	snop  }
0xb7: {  	[tilespmem:s17], [sflag:$0x2] =	stream.indirect_vreg.gather [hbm4b:s6+s2], $0x80, v4, vm0, $0xb8;
	[tilespmem:$0x14000] =	vst v63  }
0xb8: {  	s22 =	sadd.s32 s20, s8  }
0xb9: {  	[hbm4b:s22+s2] =	stream.linear.scatter [tilespmem:s11], [sflag:$0x3], $0x8000, $0x38;
	[tilespmem:$0x14000] =	vst v63  }
0xba: {  	p0 =	seq.s32 s20, $0x7E000;
	_ =	swait.ge [sflag:s18], $0x8000  }
.Ltmp5:
0xbb: {  	[sflag:s18] =	ssyncset.done $0x0;
	(pc) =	sbr.rel @p0 .LBB2_6-.Ltmp5, $4  }
0xbc: {  	[sflag:s18] =	ssyncadd.s32 $0xFFFF8000  }
0xbd: {  	_ =	swait.ge [sflag:s19], $0x8000  }
0xbe: {  	[sflag:s19] =	ssyncset.done $0x0  }
0xbf: {  	[sflag:s19] =	ssyncadd.s32 $0xFFFF8000  }
0xc0: {  	v4 =	vld [tilespmem:s21+$0x20];
	_ =	sdelay $0x4  }
0xc1: {  	v5 =	vshll.u32 v4, $0x2  }
0xc2: {  	v4 =	vand.u32 $0x7, v4;
	v5 =	vand.u32 $0xFFFFFFE0, v5  }
0xc3: {  	v4 =	vor.u32 v4, v5  }
0xc4: {  	v5 =	vperm.xlane v4, v1;
	_ =	sdelay $0x1  }
0xc5: {  	v5 =	vadd.s32 v2, v5;
	_ =	sdelay $0x1  }
0xc6: {  	v4 =	vperm.xlane v4, v3;
	_ =	sdelay $0x1  }
0xc7: {  	v4 =	vadd.s32 v2, v4  }
0xc8: {  	[tilespmem:s11], [sflag:$0x1] =	stream.indirect_vreg.gather [hbm4b:s3+s2], $0x80, v5, vm0, $0xb8;
	[tilespmem:$0x14000] =	vst v63  }
0xc9: {  	s23 =	simm.s32 $0x4800  }
0xca: {  	[tilespmem:s23], [sflag:$0x1] =	stream.indirect_vreg.gather [hbm4b:s6+s2], $0x80, v5, vm0, $0xb8;
	[tilespmem:$0x14000] =	vst v63  }
0xcb: {  	s23 =	simm.s32 $0x5000  }
0xcc: {  	[tilespmem:s23], [sflag:$0x1] =	stream.indirect_vreg.gather [hbm4b:s3+s2], $0x80, v4, vm0, $0xb8;
	[tilespmem:$0x14000] =	vst v63  }
0xcd: {  	s23 =	simm.s32 $0x5800  }
0xce: {  	[tilespmem:s23], [sflag:$0x1] =	stream.indirect_vreg.gather [hbm4b:s6+s2], $0x80, v4, vm0, $0xb8;
	[tilespmem:$0x14000] =	vst v63  }
0xcf: {  	v4 =	vld [tilespmem:s21+$0x30];
	_ =	sdelay $0x4  }
0xd0: {  	v5 =	vshll.u32 v4, $0x2  }
0xd1: {  	v4 =	vand.u32 $0x7, v4;
	v5 =	vand.u32 $0xFFFFFFE0, v5  }
0xd2: {  	v4 =	vor.u32 v4, v5  }
0xd3: {  	v5 =	vperm.xlane v4, v1;
	_ =	sdelay $0x1  }
0xd4: {  	v5 =	vadd.s32 v2, v5;
	_ =	sdelay $0x1  }
0xd5: {  	v4 =	vperm.xlane v4, v3;
	_ =	sdelay $0x1  }
0xd6: {  	s23 =	simm.s32 $0x6000;
	v4 =	vadd.s32 v2, v4  }
0xd7: {  	[tilespmem:s23], [sflag:$0x1] =	stream.indirect_vreg.gather [hbm4b:s3+s2], $0x80, v5, vm0, $0xb8;
	[tilespmem:$0x14000] =	vst v63  }
0xd8: {  	s23 =	simm.s32 $0x6800  }
0xd9: {  	[tilespmem:s23], [sflag:$0x1] =	stream.indirect_vreg.gather [hbm4b:s6+s2], $0x80, v5, vm0, $0xb8;
	[tilespmem:$0x14000] =	vst v63  }
0xda: {  	s23 =	simm.s32 $0x7000  }
0xdb: {  	[tilespmem:s23], [sflag:$0x1] =	stream.indirect_vreg.gather [hbm4b:s3+s2], $0x80, v4, vm0, $0xb8;
	[tilespmem:$0x14000] =	vst v63  }
0xdc: {  	s23 =	simm.s32 $0x7800  }
0xdd: {  	[tilespmem:s23], [sflag:$0x1] =	stream.indirect_vreg.gather [hbm4b:s6+s2], $0x80, v4, vm0, $0xb8;
	[tilespmem:$0x14000] =	vst v63  }
0xde: {  	v4 =	vld [tilespmem:s21+$0x40];
	_ =	sdelay $0x4  }
0xdf: {  	v5 =	vshll.u32 v4, $0x2  }
0xe0: {  	v4 =	vand.u32 $0x7, v4;
	v5 =	vand.u32 $0xFFFFFFE0, v5  }
0xe1: {  	v4 =	vor.u32 v4, v5  }
0xe2: {  	v5 =	vperm.xlane v4, v1;
	_ =	sdelay $0x1  }
0xe3: {  	v5 =	vadd.s32 v2, v5;
	_ =	sdelay $0x1  }
0xe4: {  	v4 =	vperm.xlane v4, v3;
	_ =	sdelay $0x1  }
0xe5: {  	s23 =	simm.s32 $0x8000;
	v4 =	vadd.s32 v2, v4  }
0xe6: {  	[tilespmem:s23], [sflag:$0x1] =	stream.indirect_vreg.gather [hbm4b:s3+s2], $0x80, v5, vm0, $0xb8;
	[tilespmem:$0x14000] =	vst v63  }
0xe7: {  	s23 =	simm.s32 $0x8800  }
0xe8: {  	[tilespmem:s23], [sflag:$0x1] =	stream.indirect_vreg.gather [hbm4b:s6+s2], $0x80, v5, vm0, $0xb8;
	[tilespmem:$0x14000] =	vst v63  }
0xe9: {  	s23 =	simm.s32 $0x9000  }
0xea: {  	[tilespmem:s23], [sflag:$0x1] =	stream.indirect_vreg.gather [hbm4b:s3+s2], $0x80, v4, vm0, $0xb8;
	[tilespmem:$0x14000] =	vst v63  }
0xeb: {  	s23 =	simm.s32 $0x9800  }
0xec: {  	[tilespmem:s23], [sflag:$0x1] =	stream.indirect_vreg.gather [hbm4b:s6+s2], $0x80, v4, vm0, $0xb8;
	[tilespmem:$0x14000] =	vst v63  }
0xed: {  	v4 =	vld [tilespmem:s21+$0x50];
	_ =	sdelay $0x4  }
0xee: {  	v5 =	vshll.u32 v4, $0x2  }
0xef: {  	v4 =	vand.u32 $0x7, v4;
	v5 =	vand.u32 $0xFFFFFFE0, v5  }
0xf0: {  	v4 =	vor.u32 v4, v5  }
0xf1: {  	v5 =	vperm.xlane v4, v1;
	_ =	sdelay $0x1  }
0xf2: {  	v5 =	vadd.s32 v2, v5;
	_ =	sdelay $0x2  }
0xf3: {  	v4 =	vperm.xlane v4, v3  }
0xf4: {  	s23 =	simm.s32 $0xA000  }
0xf5: {  	v4 =	vadd.s32 v2, v4;
	[tilespmem:s23], [sflag:$0x1] =	stream.indirect_vreg.gather [hbm4b:s3+s2], $0x80, v5, vm0, $0xb8;
	[tilespmem:$0x14000] =	vst v63  }
0xf6: {  	_ = 	snop  }
0xf7: {  	[tilespmem:s24], [sflag:$0x1] =	stream.indirect_vreg.gather [hbm4b:s6+s2], $0x80, v5, vm0, $0xb8;
	[tilespmem:$0x14000] =	vst v63  }
.Ltmp6:
0xf8: {  	_ = 	snop;
	(pc) =	sbr.rel .LBB2_6-.Ltmp6, $4  }
0xf9: {  	_ = 	snop  }
0xfa: {  	[tilespmem:s25], [sflag:$0x1] =	stream.indirect_vreg.gather [hbm4b:s3+s2], $0x80, v4, vm0, $0xb8;
	[tilespmem:$0x14000] =	vst v63  }
0xfb: {  	_ = 	snop  }
0xfc: {  	[tilespmem:s26], [sflag:$0x1] =	stream.indirect_vreg.gather [hbm4b:s6+s2], $0x80, v4, vm0, $0xb8;
	[tilespmem:$0x14000] =	vst v63  }
.LBB2_8:
0xfd: {  	_ =	sfence.sel $0x180000  }
0xfe: {  	[bflag:$0x0] =	sbarrier.arrive $0xFFFF  }
0xff: {  	_ =	strace $0x90000047  }
0x100: {  	s0 =	stileid.u32;
	[bflag:$0x2] =	sbarrier.arrive $0xFFFF  }
0x101: {  	p0 =	sne.s32 s0, $0x0;
	s0 =	rddreg [dreg:$0x2]  }
0x102: {  	s0 =	sadd.s32 @!p0 $0x100000, s0  }
0x103: {  	[sflag:s0] =	ssyncadd.tile.s32 @!p0 $0x1;
	_ =	shalt  }
.Lfunc_end2:
_tile_overlayer_lowered:
.L_overlay_start_2:
0x104: {  	(tag) =	ssettag $0x2  }
0x105: {  	s0 =	rddreg [dreg:$0x0];
	s2 =	stileid.u32  }
0x106: {  	s1 =	rddreg [dreg:$0x1];
	p0 =	sne.s32 s2, $0x0  }
0x107: {  	s3 =	rddreg [dreg:$0x2];
	[bflag:$0x3] =	sbarrier.arrive $0xFFFF;
	s2 =	simm.s32 @!p0 $0x1C05  }
0x108: {  	[timem:s3], [sflag:s2] =	dma.local @!p0 [hbm:s0], s1  }
0x109: {  	s0 =	simm.s32 @!p0 $0x5  }
0x10a: {  	_ =	swait.ge @!p0 [sflag:s0], s1  }
0x10b: {  	s1 =	ssub.s32 @!p0 $0x0, s1;
	[sflag:s0] =	ssyncset.done @!p0 $0x0  }
0x10c: {  	[sflag:s0] =	ssyncadd.s32 @!p0 s1  }
0x10d: {  	[bflag:$0x3] =	sbarrier.arrive $0xFFFF  }
0x10e: {  	_ =	shalt  }

</sc_bundles>
